<compile_context>
chip_gen: v7x
topology: tpu7x:2x2x1
jax: 0.10.2.dev20260603
libtpu: 0.0.44.dev20260713+nightly
codegen_flags: <defaults>
</compile_context>

<pallas_src>
import functools

import jax
import jax.numpy as jnp
from jax import lax
from jax.experimental import pallas as pl
from jax.experimental.pallas import tpu as pltpu
from jax.experimental.pallas import tpu_sc as plsc

B, T, D = 16384, 200, 128
N = B * T
NW = 32
PER_W = N // NW
CHUNK = 128
CPW = PER_W // CHUNK
BLOCK = 2 * CHUNK
BLOCKS = CPW // 2
JROWS = 80
BPG = JROWS // 2


def _sc_embedding_gather(table, idx2d):
    mesh = plsc.VectorSubcoreMesh(core_axis_name="c", subcore_axis_name="s")

    @functools.partial(
        pl.kernel,
        out_type=jax.ShapeDtypeStruct((N, D), jnp.float32),
        mesh=mesh,
        scratch_types=[
            pltpu.VMEM((JROWS, CHUNK), jnp.int32),
            pltpu.VMEM((BLOCK, D), jnp.float32),
            pltpu.VMEM((BLOCK, D), jnp.float32),
            pltpu.VMEM_SHARED((7, D), jnp.float32),
            pltpu.SemaphoreType.DMA,
            pltpu.SemaphoreType.DMA,
            pltpu.SemaphoreType.DMA,
            pltpu.SemaphoreType.DMA,
        ],
    )
    def body(table_hbm, idx_hbm, out_hbm, idx_v, rows0, rows1, tab_sh,
             sg0, sg1, ss0, ss1):
        cid = lax.axis_index("c")
        sid = lax.axis_index("s")
        wid = sid * 2 + cid
        base_chunk = wid * CPW

        @pl.when(sid == 0)
        def _():
            pltpu.sync_copy(table_hbm, tab_sh)

        plsc.subcore_barrier()

        rows = (rows0, rows1)
        sgs = (sg0, sg1)
        sss = (ss0, ss1)

        def fire_gathers(b, p):
            jj = (2 * b) % JROWS
            pltpu.async_copy(
                tab_sh.at[idx_v.at[jj]], rows[p].at[pl.ds(0, CHUNK)], sgs[p])
            pltpu.async_copy(
                tab_sh.at[idx_v.at[jj + 1]], rows[p].at[pl.ds(CHUNK, CHUNK)],
                sgs[p])

        def drain_gathers(b, p):
            del b
            pltpu.make_async_copy(
                out_hbm.at[pl.ds(0, BLOCK)], rows[p], sgs[p]).wait()

        def out_slice(b):
            return out_hbm.at[pl.ds((base_chunk + 2 * b) * CHUNK, BLOCK)]

        def fire_store(b, p):
            pltpu.async_copy(rows[p], out_slice(b), sss[p])

        def drain_store(b, p):
            pltpu.make_async_copy(rows[p], out_slice(b), sss[p]).wait()

        def load_idx_group(g):
            pltpu.sync_copy(
                idx_hbm.at[pl.ds(base_chunk + g * JROWS, JROWS)], idx_v)

        def one_block(b, p):
            bm1 = jnp.maximum(b - 1, 0)
            bm2 = jnp.maximum(b - 2, 0)

            @pl.when(b >= 1)
            def _():
                drain_gathers(bm1, 1 - p)
                fire_store(bm1, 1 - p)

            if p == 0:
                @pl.when(b % BPG == 0)
                def _():
                    load_idx_group(b // BPG)

            @pl.when(b >= 2)
            def _():
                drain_store(bm2, p)

            fire_gathers(b, p)

        def pair(t, _):
            one_block(2 * t, 0)
            one_block(2 * t + 1, 1)
            return ()

        lax.fori_loop(0, BLOCKS // 2, pair, ())

        last = BLOCKS - 1
        drain_gathers(last, 1)
        fire_store(last, 1)
        drain_store(last - 1, 0)
        drain_store(last, 1)

    return body(table, idx2d)


def kernel(x, table):
    idx2d = x.reshape(N // CHUNK, CHUNK).astype(jnp.int32)
    out = _sc_embedding_gather(table, idx2d)
    return out.reshape(B, T, D)

# --- scband reference (transcript-rebuilt; emitter-appended) ---
"""Pipeline reference for scband-token-embedding-44401371906389 (READ-ONLY COPY).

The authoritative reference and input builder live on the scoring server;
editing this copy changes nothing except your own understanding.
"""

import jax, jax.numpy as jnp
import numpy as np

def setup_inputs(seed: int = 0) -> dict:
    key = jax.random.key(seed)
    k1, k2 = jax.random.split(key)
    x = jax.random.randint(k1, (16384, 200, 1), 0, 7, dtype=jnp.int64)
    table = jax.random.normal(k2, (7, 128), dtype=jnp.float32)
    return {"x": x, "table": table}

def reference(x, table):
    idx = x[:, :, 0].astype(jnp.int32)
    out = jnp.take(table, idx, axis=0)
    return out

if __name__ == "__main__":
    import jax
    _d = setup_inputs()
    print(jax.jit(kernel)(*tuple(_d.values())))

</pallas_src>

<mosaic_0001>
#map = affine_map<(d0, d1) -> (0, 0)>
module attributes {stable_mosaic.version = 14 : i64} {
  func.func @body(%arg0: i32, %arg1: i32, %arg2: memref<7x128xf32, #tpu.memory_space<hbm>>, %arg3: memref<25600x128xi32, #tpu.memory_space<hbm>>, %arg4: memref<3276800x128xf32, #tpu.memory_space<hbm>>, %arg5: memref<80x128xi32, #tpu.memory_space<vmem>>, %arg6: memref<256x128xf32, #tpu.memory_space<vmem>>, %arg7: memref<256x128xf32, #tpu.memory_space<vmem>>, %arg8: memref<7x128xf32, #tpu.memory_space<vmem_shared>>, %arg9: memref<!tpu.dma_semaphore, #tpu.memory_space<semaphore_mem>>, %arg10: memref<!tpu.dma_semaphore, #tpu.memory_space<semaphore_mem>>, %arg11: memref<!tpu.dma_semaphore, #tpu.memory_space<semaphore_mem>>, %arg12: memref<!tpu.dma_semaphore, #tpu.memory_space<semaphore_mem>>) attributes {dimension_semantics = [#tpu.dimension_semantics<core_parallel>, #tpu.dimension_semantics<subcore_parallel>], iteration_bounds = array<i64: 2, 16>, scalar_prefetch = 0 : i64, scratch_operands = 8 : i64, tpu.core_type = #tpu.core_type<sc_vector_subcore>, window_params = [{transform_indices = #map}, {transform_indices = #map}, {transform_indices = #map}]} {
    %mul3A = arith.constant 2 : i32
    %mul3A_0 = arith.muli %arg1, %mul3A : i32
    %add3A = arith.addi %mul3A_0, %arg0 : i32
    %mul3A_1 = arith.constant 800 : i32
    %mul3A_2 = arith.muli %add3A, %mul3A_1 : i32
    %eq3A = arith.constant 0 : i32
    %eq3A_3 = arith.cmpi eq, %arg1, %eq3A : i32
    %convert_element_type3A = arith.extui %eq3A_3 : i1 to i32
    %cond3A = arith.constant 0 : i32
    %cond3A_4 = arith.cmpi ne, %convert_element_type3A, %cond3A : i32
    scf.if %cond3A_4 {
      "tpu.region"() ({
        %run_scoped3A = tpu.sem_alloc : memref<!tpu.dma_semaphore, #tpu.memory_space<semaphore_mem>>
        tpu.enqueue_dma source(%arg2 : memref<7x128xf32, #tpu.memory_space<hbm>>) target(%arg8 : memref<7x128xf32, #tpu.memory_space<vmem_shared>>) target_semaphore(%run_scoped3A : memref<!tpu.dma_semaphore, #tpu.memory_space<semaphore_mem>>)
        tpu.wait_dma2 semaphore(%run_scoped3A : memref<!tpu.dma_semaphore, #tpu.memory_space<semaphore_mem>>) src(%arg2 : memref<7x128xf32, #tpu.memory_space<hbm>>) dst(%arg8 : memref<7x128xf32, #tpu.memory_space<vmem_shared>>)
        tpu.yield
      }) : () -> ()
    } else {
    }
    %barrier3A = arith.constant 0 : index
    tpu.barrier barrier_id(%barrier3A)
    %scan3A = arith.constant 0 : i32
    %scan3A_5 = arith.constant 200 : i32
    %scan3A_6 = arith.addi %scan3A, %scan3A_5 : i32
    %scan3A_7 = arith.constant 1 : i32
    scf.for %scan3A_37 = %scan3A to %scan3A_6 step %scan3A_7  : i32 {
      %mul3A_38 = arith.constant 2 : i32
      %mul3A_39 = arith.muli %mul3A_38, %scan3A_37 : i32
      %sub3A = arith.constant 1 : i32
      %sub3A_40 = arith.subi %mul3A_39, %sub3A : i32
      %max3A = arith.constant 0 : i32
      %max3A_41 = arith.maxsi %sub3A_40, %max3A : i32
      %sub3A_42 = arith.constant 2 : i32
      %sub3A_43 = arith.subi %mul3A_39, %sub3A_42 : i32
      %max3A_44 = arith.constant 0 : i32
      %max3A_45 = arith.maxsi %sub3A_43, %max3A_44 : i32
      %ge3A = arith.constant 1 : i32
      %ge3A_46 = arith.cmpi sge, %mul3A_39, %ge3A : i32
      %convert_element_type3A_47 = arith.extui %ge3A_46 : i1 to i32
      %cond3A_48 = arith.constant 0 : i32
      %cond3A_49 = arith.cmpi ne, %convert_element_type3A_47, %cond3A_48 : i32
      scf.if %cond3A_49 {
        %dma_wait3A_168 = arith.constant 0 : i32
        %dma_wait3A_169 = arith.constant 0 : i32
        %dma_wait3A_170 = tpu.memref_slice %arg4[%dma_wait3A_168, %dma_wait3A_169] : memref<3276800x128xf32, #tpu.memory_space<hbm>> -> memref<256x128xf32, #tpu.memory_space<hbm>>
        %dma_wait3A_171 = arith.constant 0 : i32
        %dma_wait3A_172 = arith.constant 0 : i32
        %dma_wait3A_173 = tpu.memref_slice %arg4[%dma_wait3A_171, %dma_wait3A_172] : memref<3276800x128xf32, #tpu.memory_space<hbm>> -> memref<256x128xf32, #tpu.memory_space<hbm>>
        tpu.wait_dma2 semaphore(%arg10 : memref<!tpu.dma_semaphore, #tpu.memory_space<semaphore_mem>>) src(%dma_wait3A_173 : memref<256x128xf32, #tpu.memory_space<hbm>>) dst(%arg7 : memref<256x128xf32, #tpu.memory_space<vmem>>)
        %mul3A_174 = arith.constant 2 : i32
        %mul3A_175 = arith.muli %mul3A_174, %max3A_41 : i32
        %add3A_176 = arith.addi %mul3A_2, %mul3A_175 : i32
        %mul3A_177 = arith.constant 128 : i32
        %mul3A_178 = arith.muli %add3A_176, %mul3A_177 : i32
        %dma_start3A_179 = arith.constant 0 : i32
        %dma_start3A_180 = tpu.memref_slice %arg4[%mul3A_178, %dma_start3A_179] : memref<3276800x128xf32, #tpu.memory_space<hbm>> -> memref<256x128xf32, #tpu.memory_space<hbm>>
        %dma_start3A_181 = arith.constant 0 : i32
        %dma_start3A_182 = tpu.memref_slice %arg4[%mul3A_178, %dma_start3A_181] : memref<3276800x128xf32, #tpu.memory_space<hbm>> -> memref<256x128xf32, #tpu.memory_space<hbm>>
        tpu.enqueue_dma source(%arg7 : memref<256x128xf32, #tpu.memory_space<vmem>>) target(%dma_start3A_182 : memref<256x128xf32, #tpu.memory_space<hbm>>) target_semaphore(%arg12 : memref<!tpu.dma_semaphore, #tpu.memory_space<semaphore_mem>>)
      } else {
      }
      %jit3A = arith.constant 40 : i32
      %eq3A_50 = arith.constant 0 : i32
      %eq3A_51 = arith.cmpi eq, %jit3A, %eq3A_50 : i32
      %jit3A_52 = arith.constant 1 : i32
      %select_n3A = arith.select %eq3A_51, %jit3A_52, %jit3A : i32
      %rem3A = arith.remsi %mul3A_39, %select_n3A : i32
      %ne3A = arith.constant 0 : i32
      %ne3A_53 = arith.cmpi ne, %rem3A, %ne3A : i32
      %lt3A = arith.constant 0 : i32
      %lt3A_54 = arith.cmpi slt, %rem3A, %lt3A : i32
      %lt3A_55 = arith.constant 0 : i32
      %lt3A_56 = arith.cmpi slt, %select_n3A, %lt3A_55 : i32
      %ne3A_57 = arith.xori %lt3A_54, %lt3A_56 : i1
      %and3A = arith.andi %ne3A_57, %ne3A_53 : i1
      %add3A_58 = arith.addi %rem3A, %select_n3A : i32
      %select_n3A_59 = arith.select %and3A, %add3A_58, %rem3A : i32
      %eq3A_60 = arith.constant 0 : i32
      %eq3A_61 = arith.cmpi eq, %select_n3A_59, %eq3A_60 : i32
      %convert_element_type3A_62 = arith.extui %eq3A_61 : i1 to i32
      %cond3A_63 = arith.constant 0 : i32
      %cond3A_64 = arith.cmpi ne, %convert_element_type3A_62, %cond3A_63 : i32
      scf.if %cond3A_64 {
        %jit3A_168 = arith.constant 40 : i32
        %div3A = arith.divsi %mul3A_39, %jit3A_168 : i32
        %sign3A = arith.constant 0 : i32
        %sign3A_169 = arith.cmpi sgt, %mul3A_39, %sign3A : i32
        %sign3A_170 = arith.extui %sign3A_169 : i1 to i32
        %sign3A_171 = arith.constant 0 : i32
        %sign3A_172 = arith.cmpi slt, %mul3A_39, %sign3A_171 : i32
        %sign3A_173 = arith.extui %sign3A_172 : i1 to i32
        %sign3A_174 = arith.subi %sign3A_170, %sign3A_173 : i32
        %sign3A_175 = arith.constant 0 : i32
        %sign3A_176 = arith.cmpi sgt, %jit3A_168, %sign3A_175 : i32
        %sign3A_177 = arith.extui %sign3A_176 : i1 to i32
        %sign3A_178 = arith.constant 0 : i32
        %sign3A_179 = arith.cmpi slt, %jit3A_168, %sign3A_178 : i32
        %sign3A_180 = arith.extui %sign3A_179 : i1 to i32
        %sign3A_181 = arith.subi %sign3A_177, %sign3A_180 : i32
        %ne3A_182 = arith.cmpi ne, %sign3A_174, %sign3A_181 : i32
        %rem3A_183 = arith.remsi %mul3A_39, %jit3A_168 : i32
        %ne3A_184 = arith.constant 0 : i32
        %ne3A_185 = arith.cmpi ne, %rem3A_183, %ne3A_184 : i32
        %and3A_186 = arith.andi %ne3A_182, %ne3A_185 : i1
        %sub3A_187 = arith.constant 1 : i32
        %sub3A_188 = arith.subi %div3A, %sub3A_187 : i32
        %select_n3A_189 = arith.select %and3A_186, %sub3A_188, %div3A : i32
        %mul3A_190 = arith.constant 80 : i32
        %mul3A_191 = arith.muli %select_n3A_189, %mul3A_190 : i32
        %add3A_192 = arith.addi %mul3A_2, %mul3A_191 : i32
        "tpu.region"() ({
          %run_scoped3A = tpu.sem_alloc : memref<!tpu.dma_semaphore, #tpu.memory_space<semaphore_mem>>
          %dma_start3A_193 = arith.constant 0 : i32
          %dma_start3A_194 = tpu.memref_slice %arg3[%add3A_192, %dma_start3A_193] : memref<25600x128xi32, #tpu.memory_space<hbm>> -> memref<80x128xi32, #tpu.memory_space<hbm>>
          %dma_start3A_195 = arith.constant 0 : i32
          %dma_start3A_196 = tpu.memref_slice %arg3[%add3A_192, %dma_start3A_195] : memref<25600x128xi32, #tpu.memory_space<hbm>> -> memref<80x128xi32, #tpu.memory_space<hbm>>
          tpu.enqueue_dma source(%dma_start3A_196 : memref<80x128xi32, #tpu.memory_space<hbm>>) target(%arg5 : memref<80x128xi32, #tpu.memory_space<vmem>>) target_semaphore(%run_scoped3A : memref<!tpu.dma_semaphore, #tpu.memory_space<semaphore_mem>>)
          %dma_wait3A_197 = arith.constant 0 : i32
          %dma_wait3A_198 = tpu.memref_slice %arg3[%add3A_192, %dma_wait3A_197] : memref<25600x128xi32, #tpu.memory_space<hbm>> -> memref<80x128xi32, #tpu.memory_space<hbm>>
          %dma_wait3A_199 = arith.constant 0 : i32
          %dma_wait3A_200 = tpu.memref_slice %arg3[%add3A_192, %dma_wait3A_199] : memref<25600x128xi32, #tpu.memory_space<hbm>> -> memref<80x128xi32, #tpu.memory_space<hbm>>
          tpu.wait_dma2 semaphore(%run_scoped3A : memref<!tpu.dma_semaphore, #tpu.memory_space<semaphore_mem>>) src(%dma_wait3A_200 : memref<80x128xi32, #tpu.memory_space<hbm>>) dst(%arg5 : memref<80x128xi32, #tpu.memory_space<vmem>>)
          tpu.yield
        }) : () -> ()
      } else {
      }
      %ge3A_65 = arith.constant 2 : i32
      %ge3A_66 = arith.cmpi sge, %mul3A_39, %ge3A_65 : i32
      %convert_element_type3A_67 = arith.extui %ge3A_66 : i1 to i32
      %cond3A_68 = arith.constant 0 : i32
      %cond3A_69 = arith.cmpi ne, %convert_element_type3A_67, %cond3A_68 : i32
      scf.if %cond3A_69 {
        %mul3A_168 = arith.constant 2 : i32
        %mul3A_169 = arith.muli %mul3A_168, %max3A_45 : i32
        %add3A_170 = arith.addi %mul3A_2, %mul3A_169 : i32
        %mul3A_171 = arith.constant 128 : i32
        %mul3A_172 = arith.muli %add3A_170, %mul3A_171 : i32
        %dma_wait3A_173 = arith.constant 0 : i32
        %dma_wait3A_174 = tpu.memref_slice %arg4[%mul3A_172, %dma_wait3A_173] : memref<3276800x128xf32, #tpu.memory_space<hbm>> -> memref<256x128xf32, #tpu.memory_space<hbm>>
        %dma_wait3A_175 = arith.constant 0 : i32
        %dma_wait3A_176 = tpu.memref_slice %arg4[%mul3A_172, %dma_wait3A_175] : memref<3276800x128xf32, #tpu.memory_space<hbm>> -> memref<256x128xf32, #tpu.memory_space<hbm>>
        tpu.wait_dma2 semaphore(%arg11 : memref<!tpu.dma_semaphore, #tpu.memory_space<semaphore_mem>>) src(%arg6 : memref<256x128xf32, #tpu.memory_space<vmem>>) dst(%dma_wait3A_176 : memref<256x128xf32, #tpu.memory_space<hbm>>)
      } else {
      }
      %mul3A_70 = arith.constant 2 : i32
      %mul3A_71 = arith.muli %mul3A_70, %mul3A_39 : i32
      %jit3A_72 = arith.constant 80 : i32
      %eq3A_73 = arith.constant 0 : i32
      %eq3A_74 = arith.cmpi eq, %jit3A_72, %eq3A_73 : i32
      %jit3A_75 = arith.constant 1 : i32
      %select_n3A_76 = arith.select %eq3A_74, %jit3A_75, %jit3A_72 : i32
      %rem3A_77 = arith.remsi %mul3A_71, %select_n3A_76 : i32
      %ne3A_78 = arith.constant 0 : i32
      %ne3A_79 = arith.cmpi ne, %rem3A_77, %ne3A_78 : i32
      %lt3A_80 = arith.constant 0 : i32
      %lt3A_81 = arith.cmpi slt, %rem3A_77, %lt3A_80 : i32
      %lt3A_82 = arith.constant 0 : i32
      %lt3A_83 = arith.cmpi slt, %select_n3A_76, %lt3A_82 : i32
      %ne3A_84 = arith.xori %lt3A_81, %lt3A_83 : i1
      %and3A_85 = arith.andi %ne3A_84, %ne3A_79 : i1
      %add3A_86 = arith.addi %rem3A_77, %select_n3A_76 : i32
      %select_n3A_87 = arith.select %and3A_85, %add3A_86, %rem3A_77 : i32
      %dma_start3A_88 = arith.constant 0 : i32
      %dma_start3A_89 = arith.constant 0 : i32
      %dma_start3A_90 = tpu.memref_slice %arg6[%dma_start3A_88, %dma_start3A_89] : memref<256x128xf32, #tpu.memory_space<vmem>> -> memref<128x128xf32, #tpu.memory_space<vmem>>
      %dma_start3A_91 = arith.constant 0 : i32
      %dma_start3A_92 = tpu.memref_slice %arg5[%select_n3A_87, %dma_start3A_91] : memref<80x128xi32, #tpu.memory_space<vmem>> -> memref<1x128xi32, #tpu.memory_space<vmem>>
      %dma_start3A_93 = tpu.memref_squeeze %dma_start3A_92 : memref<1x128xi32, #tpu.memory_space<vmem>> -> memref<128xi32, #tpu.memory_space<vmem>>
      %dma_start3A_94 = arith.constant 0 : i32
      %dma_start3A_95 = arith.constant 0 : i32
      %dma_start3A_96 = tpu.memref_slice %arg8[%dma_start3A_94, %dma_start3A_95] : memref<7x128xf32, #tpu.memory_space<vmem_shared>> -> memref<7x128xf32, #tpu.memory_space<vmem_shared>>
      tpu.enqueue_indirect_dma source(%dma_start3A_96 : memref<7x128xf32, #tpu.memory_space<vmem_shared>>) target(%dma_start3A_90 : memref<128x128xf32, #tpu.memory_space<vmem>>) offsets(%dma_start3A_93 : memref<128xi32, #tpu.memory_space<vmem>>) semaphore(%arg9 : memref<!tpu.dma_semaphore, #tpu.memory_space<semaphore_mem>>)
      %add3A_97 = arith.constant 1 : i32
      %add3A_98 = arith.addi %select_n3A_87, %add3A_97 : i32
      %dma_start3A_99 = arith.constant 128 : i32
      %dma_start3A_100 = arith.constant 0 : i32
      %dma_start3A_101 = tpu.memref_slice %arg6[%dma_start3A_99, %dma_start3A_100] : memref<256x128xf32, #tpu.memory_space<vmem>> -> memref<128x128xf32, #tpu.memory_space<vmem>>
      %dma_start3A_102 = arith.constant 0 : i32
      %dma_start3A_103 = tpu.memref_slice %arg5[%add3A_98, %dma_start3A_102] : memref<80x128xi32, #tpu.memory_space<vmem>> -> memref<1x128xi32, #tpu.memory_space<vmem>>
      %dma_start3A_104 = tpu.memref_squeeze %dma_start3A_103 : memref<1x128xi32, #tpu.memory_space<vmem>> -> memref<128xi32, #tpu.memory_space<vmem>>
      %dma_start3A_105 = arith.constant 0 : i32
      %dma_start3A_106 = arith.constant 0 : i32
      %dma_start3A_107 = tpu.memref_slice %arg8[%dma_start3A_105, %dma_start3A_106] : memref<7x128xf32, #tpu.memory_space<vmem_shared>> -> memref<7x128xf32, #tpu.memory_space<vmem_shared>>
      tpu.enqueue_indirect_dma source(%dma_start3A_107 : memref<7x128xf32, #tpu.memory_space<vmem_shared>>) target(%dma_start3A_101 : memref<128x128xf32, #tpu.memory_space<vmem>>) offsets(%dma_start3A_104 : memref<128xi32, #tpu.memory_space<vmem>>) semaphore(%arg9 : memref<!tpu.dma_semaphore, #tpu.memory_space<semaphore_mem>>)
      %mul3A_108 = arith.constant 2 : i32
      %mul3A_109 = arith.muli %mul3A_108, %scan3A_37 : i32
      %add3A_110 = arith.constant 1 : i32
      %add3A_111 = arith.addi %mul3A_109, %add3A_110 : i32
      %sub3A_112 = arith.constant 1 : i32
      %sub3A_113 = arith.subi %add3A_111, %sub3A_112 : i32
      %max3A_114 = arith.constant 0 : i32
      %max3A_115 = arith.maxsi %sub3A_113, %max3A_114 : i32
      %sub3A_116 = arith.constant 2 : i32
      %sub3A_117 = arith.subi %add3A_111, %sub3A_116 : i32
      %max3A_118 = arith.constant 0 : i32
      %max3A_119 = arith.maxsi %sub3A_117, %max3A_118 : i32
      %ge3A_120 = arith.constant 1 : i32
      %ge3A_121 = arith.cmpi sge, %add3A_111, %ge3A_120 : i32
      %convert_element_type3A_122 = arith.extui %ge3A_121 : i1 to i32
      %cond3A_123 = arith.constant 0 : i32
      %cond3A_124 = arith.cmpi ne, %convert_element_type3A_122, %cond3A_123 : i32
      scf.if %cond3A_124 {
        %dma_wait3A_168 = arith.constant 0 : i32
        %dma_wait3A_169 = arith.constant 0 : i32
        %dma_wait3A_170 = tpu.memref_slice %arg4[%dma_wait3A_168, %dma_wait3A_169] : memref<3276800x128xf32, #tpu.memory_space<hbm>> -> memref<256x128xf32, #tpu.memory_space<hbm>>
        %dma_wait3A_171 = arith.constant 0 : i32
        %dma_wait3A_172 = arith.constant 0 : i32
        %dma_wait3A_173 = tpu.memref_slice %arg4[%dma_wait3A_171, %dma_wait3A_172] : memref<3276800x128xf32, #tpu.memory_space<hbm>> -> memref<256x128xf32, #tpu.memory_space<hbm>>
        tpu.wait_dma2 semaphore(%arg9 : memref<!tpu.dma_semaphore, #tpu.memory_space<semaphore_mem>>) src(%dma_wait3A_173 : memref<256x128xf32, #tpu.memory_space<hbm>>) dst(%arg6 : memref<256x128xf32, #tpu.memory_space<vmem>>)
        %mul3A_174 = arith.constant 2 : i32
        %mul3A_175 = arith.muli %mul3A_174, %max3A_115 : i32
        %add3A_176 = arith.addi %mul3A_2, %mul3A_175 : i32
        %mul3A_177 = arith.constant 128 : i32
        %mul3A_178 = arith.muli %add3A_176, %mul3A_177 : i32
        %dma_start3A_179 = arith.constant 0 : i32
        %dma_start3A_180 = tpu.memref_slice %arg4[%mul3A_178, %dma_start3A_179] : memref<3276800x128xf32, #tpu.memory_space<hbm>> -> memref<256x128xf32, #tpu.memory_space<hbm>>
        %dma_start3A_181 = arith.constant 0 : i32
        %dma_start3A_182 = tpu.memref_slice %arg4[%mul3A_178, %dma_start3A_181] : memref<3276800x128xf32, #tpu.memory_space<hbm>> -> memref<256x128xf32, #tpu.memory_space<hbm>>
        tpu.enqueue_dma source(%arg6 : memref<256x128xf32, #tpu.memory_space<vmem>>) target(%dma_start3A_182 : memref<256x128xf32, #tpu.memory_space<hbm>>) target_semaphore(%arg11 : memref<!tpu.dma_semaphore, #tpu.memory_space<semaphore_mem>>)
      } else {
      }
      %ge3A_125 = arith.constant 2 : i32
      %ge3A_126 = arith.cmpi sge, %add3A_111, %ge3A_125 : i32
      %convert_element_type3A_127 = arith.extui %ge3A_126 : i1 to i32
      %cond3A_128 = arith.constant 0 : i32
      %cond3A_129 = arith.cmpi ne, %convert_element_type3A_127, %cond3A_128 : i32
      scf.if %cond3A_129 {
        %mul3A_168 = arith.constant 2 : i32
        %mul3A_169 = arith.muli %mul3A_168, %max3A_119 : i32
        %add3A_170 = arith.addi %mul3A_2, %mul3A_169 : i32
        %mul3A_171 = arith.constant 128 : i32
        %mul3A_172 = arith.muli %add3A_170, %mul3A_171 : i32
        %dma_wait3A_173 = arith.constant 0 : i32
        %dma_wait3A_174 = tpu.memref_slice %arg4[%mul3A_172, %dma_wait3A_173] : memref<3276800x128xf32, #tpu.memory_space<hbm>> -> memref<256x128xf32, #tpu.memory_space<hbm>>
        %dma_wait3A_175 = arith.constant 0 : i32
        %dma_wait3A_176 = tpu.memref_slice %arg4[%mul3A_172, %dma_wait3A_175] : memref<3276800x128xf32, #tpu.memory_space<hbm>> -> memref<256x128xf32, #tpu.memory_space<hbm>>
        tpu.wait_dma2 semaphore(%arg12 : memref<!tpu.dma_semaphore, #tpu.memory_space<semaphore_mem>>) src(%arg7 : memref<256x128xf32, #tpu.memory_space<vmem>>) dst(%dma_wait3A_176 : memref<256x128xf32, #tpu.memory_space<hbm>>)
      } else {
      }
      %mul3A_130 = arith.constant 2 : i32
      %mul3A_131 = arith.muli %mul3A_130, %add3A_111 : i32
      %jit3A_132 = arith.constant 80 : i32
      %eq3A_133 = arith.constant 0 : i32
      %eq3A_134 = arith.cmpi eq, %jit3A_132, %eq3A_133 : i32
      %jit3A_135 = arith.constant 1 : i32
      %select_n3A_136 = arith.select %eq3A_134, %jit3A_135, %jit3A_132 : i32
      %rem3A_137 = arith.remsi %mul3A_131, %select_n3A_136 : i32
      %ne3A_138 = arith.constant 0 : i32
      %ne3A_139 = arith.cmpi ne, %rem3A_137, %ne3A_138 : i32
      %lt3A_140 = arith.constant 0 : i32
      %lt3A_141 = arith.cmpi slt, %rem3A_137, %lt3A_140 : i32
      %lt3A_142 = arith.constant 0 : i32
      %lt3A_143 = arith.cmpi slt, %select_n3A_136, %lt3A_142 : i32
      %ne3A_144 = arith.xori %lt3A_141, %lt3A_143 : i1
      %and3A_145 = arith.andi %ne3A_144, %ne3A_139 : i1
      %add3A_146 = arith.addi %rem3A_137, %select_n3A_136 : i32
      %select_n3A_147 = arith.select %and3A_145, %add3A_146, %rem3A_137 : i32
      %dma_start3A_148 = arith.constant 0 : i32
      %dma_start3A_149 = arith.constant 0 : i32
      %dma_start3A_150 = tpu.memref_slice %arg7[%dma_start3A_148, %dma_start3A_149] : memref<256x128xf32, #tpu.memory_space<vmem>> -> memref<128x128xf32, #tpu.memory_space<vmem>>
      %dma_start3A_151 = arith.constant 0 : i32
      %dma_start3A_152 = tpu.memref_slice %arg5[%select_n3A_147, %dma_start3A_151] : memref<80x128xi32, #tpu.memory_space<vmem>> -> memref<1x128xi32, #tpu.memory_space<vmem>>
      %dma_start3A_153 = tpu.memref_squeeze %dma_start3A_152 : memref<1x128xi32, #tpu.memory_space<vmem>> -> memref<128xi32, #tpu.memory_space<vmem>>
      %dma_start3A_154 = arith.constant 0 : i32
      %dma_start3A_155 = arith.constant 0 : i32
      %dma_start3A_156 = tpu.memref_slice %arg8[%dma_start3A_154, %dma_start3A_155] : memref<7x128xf32, #tpu.memory_space<vmem_shared>> -> memref<7x128xf32, #tpu.memory_space<vmem_shared>>
      tpu.enqueue_indirect_dma source(%dma_start3A_156 : memref<7x128xf32, #tpu.memory_space<vmem_shared>>) target(%dma_start3A_150 : memref<128x128xf32, #tpu.memory_space<vmem>>) offsets(%dma_start3A_153 : memref<128xi32, #tpu.memory_space<vmem>>) semaphore(%arg10 : memref<!tpu.dma_semaphore, #tpu.memory_space<semaphore_mem>>)
      %add3A_157 = arith.constant 1 : i32
      %add3A_158 = arith.addi %select_n3A_147, %add3A_157 : i32
      %dma_start3A_159 = arith.constant 128 : i32
      %dma_start3A_160 = arith.constant 0 : i32
      %dma_start3A_161 = tpu.memref_slice %arg7[%dma_start3A_159, %dma_start3A_160] : memref<256x128xf32, #tpu.memory_space<vmem>> -> memref<128x128xf32, #tpu.memory_space<vmem>>
      %dma_start3A_162 = arith.constant 0 : i32
      %dma_start3A_163 = tpu.memref_slice %arg5[%add3A_158, %dma_start3A_162] : memref<80x128xi32, #tpu.memory_space<vmem>> -> memref<1x128xi32, #tpu.memory_space<vmem>>
      %dma_start3A_164 = tpu.memref_squeeze %dma_start3A_163 : memref<1x128xi32, #tpu.memory_space<vmem>> -> memref<128xi32, #tpu.memory_space<vmem>>
      %dma_start3A_165 = arith.constant 0 : i32
      %dma_start3A_166 = arith.constant 0 : i32
      %dma_start3A_167 = tpu.memref_slice %arg8[%dma_start3A_165, %dma_start3A_166] : memref<7x128xf32, #tpu.memory_space<vmem_shared>> -> memref<7x128xf32, #tpu.memory_space<vmem_shared>>
      tpu.enqueue_indirect_dma source(%dma_start3A_167 : memref<7x128xf32, #tpu.memory_space<vmem_shared>>) target(%dma_start3A_161 : memref<128x128xf32, #tpu.memory_space<vmem>>) offsets(%dma_start3A_164 : memref<128xi32, #tpu.memory_space<vmem>>) semaphore(%arg10 : memref<!tpu.dma_semaphore, #tpu.memory_space<semaphore_mem>>)
    }
    %scan3A_8 = arith.constant 200 : i32
    %dma_wait3A = arith.constant 0 : i32
    %dma_wait3A_9 = arith.constant 0 : i32
    %dma_wait3A_10 = tpu.memref_slice %arg4[%dma_wait3A, %dma_wait3A_9] : memref<3276800x128xf32, #tpu.memory_space<hbm>> -> memref<256x128xf32, #tpu.memory_space<hbm>>
    %dma_wait3A_11 = arith.constant 0 : i32
    %dma_wait3A_12 = arith.constant 0 : i32
    %dma_wait3A_13 = tpu.memref_slice %arg4[%dma_wait3A_11, %dma_wait3A_12] : memref<3276800x128xf32, #tpu.memory_space<hbm>> -> memref<256x128xf32, #tpu.memory_space<hbm>>
    tpu.wait_dma2 semaphore(%arg10 : memref<!tpu.dma_semaphore, #tpu.memory_space<semaphore_mem>>) src(%dma_wait3A_13 : memref<256x128xf32, #tpu.memory_space<hbm>>) dst(%arg7 : memref<256x128xf32, #tpu.memory_space<vmem>>)
    %add3A_14 = arith.constant 798 : i32
    %add3A_15 = arith.addi %mul3A_2, %add3A_14 : i32
    %mul3A_16 = arith.constant 128 : i32
    %mul3A_17 = arith.muli %add3A_15, %mul3A_16 : i32
    %dma_start3A = arith.constant 0 : i32
    %dma_start3A_18 = tpu.memref_slice %arg4[%mul3A_17, %dma_start3A] : memref<3276800x128xf32, #tpu.memory_space<hbm>> -> memref<256x128xf32, #tpu.memory_space<hbm>>
    %dma_start3A_19 = arith.constant 0 : i32
    %dma_start3A_20 = tpu.memref_slice %arg4[%mul3A_17, %dma_start3A_19] : memref<3276800x128xf32, #tpu.memory_space<hbm>> -> memref<256x128xf32, #tpu.memory_space<hbm>>
    tpu.enqueue_dma source(%arg7 : memref<256x128xf32, #tpu.memory_space<vmem>>) target(%dma_start3A_20 : memref<256x128xf32, #tpu.memory_space<hbm>>) target_semaphore(%arg12 : memref<!tpu.dma_semaphore, #tpu.memory_space<semaphore_mem>>)
    %add3A_21 = arith.constant 796 : i32
    %add3A_22 = arith.addi %mul3A_2, %add3A_21 : i32
    %mul3A_23 = arith.constant 128 : i32
    %mul3A_24 = arith.muli %add3A_22, %mul3A_23 : i32
    %dma_wait3A_25 = arith.constant 0 : i32
    %dma_wait3A_26 = tpu.memref_slice %arg4[%mul3A_24, %dma_wait3A_25] : memref<3276800x128xf32, #tpu.memory_space<hbm>> -> memref<256x128xf32, #tpu.memory_space<hbm>>
    %dma_wait3A_27 = arith.constant 0 : i32
    %dma_wait3A_28 = tpu.memref_slice %arg4[%mul3A_24, %dma_wait3A_27] : memref<3276800x128xf32, #tpu.memory_space<hbm>> -> memref<256x128xf32, #tpu.memory_space<hbm>>
    tpu.wait_dma2 semaphore(%arg11 : memref<!tpu.dma_semaphore, #tpu.memory_space<semaphore_mem>>) src(%arg6 : memref<256x128xf32, #tpu.memory_space<vmem>>) dst(%dma_wait3A_28 : memref<256x128xf32, #tpu.memory_space<hbm>>)
    %add3A_29 = arith.constant 798 : i32
    %add3A_30 = arith.addi %mul3A_2, %add3A_29 : i32
    %mul3A_31 = arith.constant 128 : i32
    %mul3A_32 = arith.muli %add3A_30, %mul3A_31 : i32
    %dma_wait3A_33 = arith.constant 0 : i32
    %dma_wait3A_34 = tpu.memref_slice %arg4[%mul3A_32, %dma_wait3A_33] : memref<3276800x128xf32, #tpu.memory_space<hbm>> -> memref<256x128xf32, #tpu.memory_space<hbm>>
    %dma_wait3A_35 = arith.constant 0 : i32
    %dma_wait3A_36 = tpu.memref_slice %arg4[%mul3A_32, %dma_wait3A_35] : memref<3276800x128xf32, #tpu.memory_space<hbm>> -> memref<256x128xf32, #tpu.memory_space<hbm>>
    tpu.wait_dma2 semaphore(%arg12 : memref<!tpu.dma_semaphore, #tpu.memory_space<semaphore_mem>>) src(%arg7 : memref<256x128xf32, #tpu.memory_space<vmem>>) dst(%dma_wait3A_36 : memref<256x128xf32, #tpu.memory_space<hbm>>)
    return
  }
}

</mosaic_0001>

<sc_bundles>
// kernel: kernel.3.cloned.1.call-start
scs
__scs_entry_jumppad:
0x0: {  	(pc) =	sbr.rel $0x88, $3  }
0x1: {  	(tag) =	ssettag $0x0;
	lr =	simm.s32 $0x1  }
0x2: {  	[smem:$0x3F9F] =	sst lr;
	_ =	strace $0xD0000000  }
0x3: {  	_ = 	snop  }
0x4: {  	_ = 	snop  }
0x5: {  	_ = 	snop  }
0x6: {  	_ = 	snop  }
0x7: {  	_ = 	snop  }
__scs_overlays_trampoline_lowered:
0x8: {  	[smem:$0x3FAE] =	sst s0  }
0x9: {  	[smem:$0x3FAF] =	sst s1  }
0xa: {  	[smem:$0x3FB0] =	sst s2  }
0xb: {  	[smem:$0x3FB1] =	sst s3  }
0xc: {  	[smem:$0x3FB2] =	sst s4  }
0xd: {  	[smem:$0x3FB3] =	sst s5  }
0xe: {  	[smem:$0x3FB4] =	sst s6  }
0xf: {  	[smem:$0x3FB5] =	sst s7  }
0x10: {  	[smem:$0x3FB6] =	sst s8  }
0x11: {  	[smem:$0x3FB7] =	sst s9;
	s0 =	simm.s32 @!p0 $0x0  }
0x12: {  	s1 =	sld [smem:$0x3F9D];
	s0 =	simm.s32 @p0 $0x1  }
0x13: {  	[smem:$0x3FB8] =	sst s0;
	s0 =	simm.s32 @!p1 $0x0  }
0x14: {  	s2 =	sld [smem:$0x3F9C];
	s0 =	simm.s32 @p1 $0x1  }
0x15: {  	[smem:$0x3FB9] =	sst s0;
	s0 =	simm.s32 @!p2 $0x0  }
0x16: {  	s3 =	sld [smem:$0x3FDB];
	s0 =	simm.s32 @p2 $0x1  }
0x17: {  	s4 =	simm.s32 $0x1BF5;
	[smem:$0x3FBB] =	sst s0  }
0x18: {  	s0 =	sld [smem:$0x3F9E];
	_ =	swait.ge [sflag:s4], $0x0  }
0x19: {  	s7 =	sld [smem:$0x3F9F]  }
0x1a: {  	s8 =	sadd.s32 $0xFFFFE003, lr  }
0x1b: {  	s9 =	sadd.s32 $0xFFFFFEF7, lr;
	s5 =	simm.s32 $0xFFFFFFFF;
	p2 =	slt.u32 s8, $0xFFFFF086  }
0x1c: {  	p1 =	slt.u32 s9, $0xF7A;
	s5 =	simm.s32 @!p2 $0x0  }
0x1d: {  	s5 =	simm.s32 @p1 $0x1;
	p0 =	seq.s32 s7, s2  }
0x1e: {  	s7 =	smul.u32 @!p0 $0xF7A, s2;
	p2 =	seq.s32 @!p0 s5, $0x0  }
0x1f: {  	s9 =	smul.u32 $0xF7A, s1;
	s8 =	simm.s32 @!p0 $0x1BF5;
	p2 =	por !p2, p0  }
0x20: {  	[sflag:s8] =	ssyncset.s32 @!p0 $0xFFFFF086;
	s6 =	sadd.s32 @!p0 s3, s7;
	s7 =	simm.s32 @!p0 $0x108  }
0x21: {  	s3 =	sadd.s32 s3, s9;
	s6 =	sadd.s32 @!p0 $0x88, s6;
	s7 =	simm.s32 @p2 $0x1082  }
0x22: {  	[simem:s7], [sflag:s8] =	dma.local @!p0 [hbm:s6], $0xF7A  }
0x23: {  	s9 =	sor.u32 $0xD0000000, s2;
	s6 =	simm.s32 $0x108;
	_ =	swait.ge @!p0 [sflag:s8], $0x0  }
0x24: {  	s3 =	sadd.s32 $0x88, s3;
	s6 =	simm.s32 @!p1 $0x1082;
	[sflag:s4] =	ssyncset.s32 $0xFFFFF086  }
0x25: {  	[simem:s6], [sflag:s4] =	dma.local [hbm:s3], $0xF7A  }
0x26: {  	[smem:$0x3F9F] =	sst s1;
	(tag) =	ssettag s2;
	_ =	strace s9  }
0x27: {  	s1 =	sld [smem:$0x3FAF]  }
0x28: {  	s2 =	sld [smem:$0x3FB0]  }
0x29: {  	s4 =	sld [smem:$0x3FB2]  }
0x2a: {  	p0 =	seq.s32 s5, $0x0;
	s5 =	sld [smem:$0x3FB3]  }
0x2b: {  	s6 =	sld [smem:$0x3FB4]  }
0x2c: {  	s7 =	sld [smem:$0x3FB5]  }
0x2d: {  	s3 =	simm.s32 $0x108;
	s8 =	sld [smem:$0x3FB6]  }
0x2e: {  	s3 =	simm.s32 @!p0 $0x1082;
	s9 =	sld [smem:$0x3FB7]  }
0x2f: {  	lr =	sadd.s32 s0, s3;
	s0 =	sld [smem:$0x3FAE]  }
0x30: {  	s3 =	sld [smem:$0x3FB1]  }
0x31: {  	[smem:$0x3FBA] =	sst s10  }
0x32: {  	s10 =	sld [smem:$0x3FB8];
	_ =	sdelay $0x3  }
0x33: {  	p0 =	seq.s32 s10, $0x1;
	s10 =	sld [smem:$0x3FBA];
	_ =	sdelay $0x3  }
0x34: {  	[smem:$0x3FBA] =	sst s10  }
0x35: {  	s10 =	sld [smem:$0x3FB9];
	_ =	sdelay $0x3  }
0x36: {  	p1 =	seq.s32 s10, $0x1;
	s10 =	sld [smem:$0x3FBA];
	_ =	sdelay $0x3  }
0x37: {  	[smem:$0x3FBA] =	sst s10  }
0x38: {  	s10 =	sld [smem:$0x3FBB]  }
0x39: {  	_ = 	snop;
	(pc) =	sbr.ind lr, $3  }
0x3a: {  	_ = 	snop  }
0x3b: {  	_ = 	snop  }
0x3c: {  	p2 =	seq.s32 s10, $0x1;
	s10 =	sld [smem:$0x3FBA]  }
0x3d: {  	_ =	shalt  }
0x3e: {  	_ =	shalt  }
0x3f: {  	_ =	shalt  }
0x40: {  	_ =	shalt  }
0x41: {  	_ =	shalt  }
0x42: {  	_ =	shalt  }
0x43: {  	_ =	shalt  }
0x44: {  	_ =	shalt  }
0x45: {  	_ =	shalt  }
0x46: {  	_ =	shalt  }
0x47: {  	_ =	shalt  }
0x48: {  	_ =	shalt  }
0x49: {  	_ =	shalt  }
0x4a: {  	_ =	shalt  }
0x4b: {  	_ =	shalt  }
0x4c: {  	_ =	shalt  }
0x4d: {  	_ =	shalt  }
0x4e: {  	_ =	shalt  }
0x4f: {  	_ =	shalt  }
0x50: {  	_ =	shalt  }
0x51: {  	_ =	shalt  }
0x52: {  	_ =	shalt  }
0x53: {  	_ =	shalt  }
0x54: {  	_ =	shalt  }
0x55: {  	_ =	shalt  }
0x56: {  	_ =	shalt  }
0x57: {  	_ =	shalt  }
0x58: {  	_ =	shalt  }
0x59: {  	_ =	shalt  }
0x5a: {  	_ =	shalt  }
0x5b: {  	_ =	shalt  }
0x5c: {  	_ =	shalt  }
0x5d: {  	_ =	shalt  }
0x5e: {  	_ =	shalt  }
0x5f: {  	_ =	shalt  }
0x60: {  	_ =	shalt  }
0x61: {  	_ =	shalt  }
0x62: {  	_ =	shalt  }
0x63: {  	_ =	shalt  }
0x64: {  	_ =	shalt  }
0x65: {  	_ =	shalt  }
0x66: {  	_ =	shalt  }
0x67: {  	_ =	shalt  }
0x68: {  	_ =	shalt  }
0x69: {  	_ =	shalt  }
0x6a: {  	_ =	shalt  }
0x6b: {  	_ =	shalt  }
0x6c: {  	_ =	shalt  }
0x6d: {  	_ =	shalt  }
0x6e: {  	_ =	shalt  }
0x6f: {  	_ =	shalt  }
0x70: {  	_ =	shalt  }
0x71: {  	_ =	shalt  }
0x72: {  	_ =	shalt  }
0x73: {  	_ =	shalt  }
0x74: {  	_ =	shalt  }
0x75: {  	_ =	shalt  }
0x76: {  	_ =	shalt  }
0x77: {  	_ =	shalt  }
0x78: {  	_ =	shalt  }
0x79: {  	_ =	shalt  }
0x7a: {  	_ =	shalt  }
0x7b: {  	_ =	shalt  }
0x7c: {  	_ =	shalt  }
0x7d: {  	_ =	shalt  }
0x7e: {  	_ =	shalt  }
0x7f: {  	_ =	shalt  }
0x80: {  	_ =	shalt  }
0x81: {  	_ =	shalt  }
0x82: {  	_ =	shalt  }
0x83: {  	_ =	shalt  }
0x84: {  	_ =	shalt  }
0x85: {  	_ =	shalt  }
0x86: {  	_ =	shalt  }
0x87: {  	_ =	shalt  }
.Lfunc_end0:
.L_simem_size_0:
called_computation_lowered:
.L_overlay_start_0:
0x88: {  	s2 =	sld [smem:$0x3FD9]  }
0x89: {  	s3 =	sld [smem:$0x3FFE];
	_ =	sdelay $0x1  }
0x8a: {  	s1 =	srdreg.scid  }
0x8b: {  	s0 =	sand.u32 $0x1, s1  }
0x8c: {  	s17 =	sshll.u32 s0, $0xA;
	s2 =	sadd.s32 s3, s2  }
0x8d: {  	s2 =	sadd.s32 s2, s17  }
0x8e: {  	[smem:$0x3FC6] =	sst s2  }
0x8f: {  	_ = 	snop  }
0x90: {  	s2 =	sld [smem:$0x3FC8]  }
0x91: {  	s18 =	sld [smem:$0x3FD0];
	(tm) =	ssettm $0x1  }
0x92: {  	s4 =	sld [smem:$0x3FFB];
	_ =	sdelay $0x3  }
0x93: {  	_ =	strace s4  }
0x94: {  	s4 =	sld [smem:$0x3FFC];
	_ =	sdelay $0x3  }
0x95: {  	_ =	strace s4  }
0x96: {  	s4 =	sld [smem:$0x3FFD];
	_ =	sdelay $0x3  }
0x97: {  	_ =	strace s4  }
0x98: {  	_ =	strace $0x8FFFFFFF  }
0x99: {  	s19 =	sld [smem:$0x3FDB];
	_ =	sdelay $0x1  }
0x9a: {  	s5 =	simm.s32 $_scs_section_size  }
0x9b: {  	s6 =	simm.s32 $_size__tile_overlayer_lowered;
	s7 =	simm.s32 $_tile_overlayer_lowered  }
0x9c: {  	s22 =	simm.s32 $0x1BFF;
	s21 =	sshll.u32 s7, $0x1;
	s4 =	sadd.s32 s5, s19  }
0x9d: {  	s8 =	simm.s32 $0x0;
	s20 =	sshll.u32 s6, $0x1;
	s6 =	sadd.s32 s21, s4  }
0x9e: {  	[timem:s8], [sflag:s22] =	dma.local [hbm:s6], s20  }
0x9f: {  	_ =	swait.ge [sflag:s22], s20  }
0xa0: {  	s5 =	ssub.s32 $0x0, s20;
	[sflag:s22] =	ssyncset.done $0x0  }
0xa1: {  	[sflag:s22] =	ssyncadd.s32 s5;
	_ =	sdelay $0x1  }
0xa2: {  	s23 =	simm.s32 $0x1B8B  }
0xa3: {  	_ =	swait.ge [sflag:s23], $0x1  }
0xa4: {  	[sflag:s23] =	ssyncset.done $0x0  }
0xa5: {  	s25 =	simm.s32 $0x1B8E;
	s24 =	sld [smem:$0x3FFE];
	[sflag:s23] =	ssyncadd.s32 $0xFFFFFFFF  }
0xa6: {  	s26 =	simm.s32 $execute0_lowered;
	[smem:$0x3FD2] =	sst s25  }
0xa7: {  	s6 =	sshll.u32 s26, $0x1;
	_ =	strace $0x80000046;
	[dreg:$0x1] =	wrdreg $0xFFFFFFFF  }
0xa8: {  	s28 =	simm.s32 $_size_execute0_lowered;
	s4 =	sadd.s32 s4, s6;
	[dreg:$0x0] =	wrdreg $0x0  }
0xa9: {  	s6 =	sshll.u32 s28, $0x1;
	[dreg:$0x2] =	wrdreg s4  }
0xaa: {  	[dreg:$0x3] =	wrdreg s6  }
0xab: {  	[dreg:$0x4] =	wrdreg $0xC0  }
0xac: {  	_ =	task [dreg:s8], $0x5FFFF  }
0xad: {  	[dreg:$0x1] =	wrdreg $0xFFFFFFFF  }
0xae: {  	[dreg:$0x0] =	wrdreg $0x60  }
0xaf: {  	[dreg:$0x2] =	wrdreg s2  }
0xb0: {  	[dreg:$0x3] =	wrdreg s24  }
0xb1: {  	[dreg:$0x4] =	wrdreg s18  }
0xb2: {  	[dreg:$0x5] =	wrdreg $0x128000  }
0xb3: {  	[dreg:$0x6] =	wrdreg $0x9  }
0xb4: {  	_ =	task.clear_ibuf [dreg:s8], $0x7FFFF;
	_ =	strace $0x90000046  }
0xb5: {  	s29 =	simm.s32 $0x9;
	_ =	strace $0x80000048  }
0xb6: {  	_ =	swait.ge [sflag:s29], $0x1  }
0xb7: {  	[sflag:s29] =	ssyncadd.s32 $0xFFFFFFFF  }
0xb8: {  	_ =	strace $0x90000048  }
0xb9: {  	_ =	sfence  }
0xba: {  	s30 =	sld [smem:$0x0];
	_ =	sdelay $0x2  }
0xbb: {  	s31 =	sshll.u32 s1, $0xD;
	s1 =	sshrl.u32 s1, $0x2  }
0xbc: {  	s3 =	sand.u32 $0x4000, s31;
	s1 =	sadd.s32 s1, s30  }
0xbd: {  	s0 =	sor.u32 s3, s0;
	s1 =	sshll.u32 s1, $0x11  }
0xbe: {  	s0 =	sor.u32 s1, s0  }
0xbf: {  	s0 =	sadd.s32 $0x8F2B, s0  }
0xc0: {  	[sflag:s0] =	ssyncadd.remote.s32 $0x1  }
0xc1: {  	_ =	sfence.sel $0xFFFF  }
0xc2: {  	[dreg:$0x0] =	wrdreg $0xFFFFFFFF;
	(pc) =	sbr.abs _section_cstart, $3  }
0xc3: {  	[dreg:$0x1] =	wrdreg $0xFFFFFFFF  }
0xc4: {  	_ =	task.clear_ibuf [dreg:s8], $0x2FFFF;
	_ =	strace $0x9FFFFFFF  }
0xc5: {  	(tm) =	ssettm $0x7FFFFFFF  }
tec
execute0_lowered:
.L_overlay_start_1:
0x0: {  	(tag) =	ssettag $0x1  }
0x1: {  	s1 =	rddreg [dreg:$0x0]  }
0x2: {  	s5 =	rddreg [dreg:$0x1]  }
0x3: {  	s2 =	rddreg [dreg:$0x2]  }
0x4: {  	s3 =	rddreg [dreg:$0x3]  }
0x5: {  	s0 =	rddreg [dreg:$0x4]  }
0x6: {  	s6 =	srdreg.scid;
	s10 =	stileid.u32;
	s4 =	simm.s32 $0x0  }
0x7: {  	s14 =	simm.s32 $0x6800;
	s15 =	simm.s32 $0x1;
	s16 =	simm.s32 $0xA800  }
0x8: {  	s17 =	simm.s32 $0xE800;
	s18 =	simm.s32 $0x2;
	s19 =	simm.s32 $0x3  }
0x9: {  	s20 =	simm.s32 $0x4;
	s21 =	simm.s32 $0x0;
	s6 =	sand.u32 $0x1, s6  }
0xa: {  	s7 =	sshll.u32 s10, $0x1;
	[smem:$0x7FF] =	sst s4;
	s11 =	smul.u32 $0x1900000, s10  }
0xb: {  	s5 =	sadd.s32 $0x400, s5;
	s7 =	sor.u32 s6, s7;
	s13 =	smul.u32 $0xC80000, s6  }
0xc: {  	p0 =	sne.s32 s10, $0x0;
	s9 =	ssub.s32 $0x2, s6;
	s8 =	smul.u32 $0xC80000, s7  }
0xd: {  	_ =	strace $0x80000047;
	s12 =	sshrl.u32 s9, $0x1;
	s6 =	smul.u32 $0x320, s7  }
0xe: {  	s9 =	ssub.s32 s9, s12;
	s11 =	sadd.s32 s13, s11;
	s8 =	sshrl.u32 s8, $0x3  }
0xf: {  	s12 =	simm.s32 $0x80;
	s13 =	simm.s32 $0x2800;
	s31 =	sadd.s32 s2, s8  }
0x10: {  	s8 =	smax.u32 s9, $0x1;
	s9 =	sadd.s32 $0xFFFF8000, s11;
	s11 =	sshrl.u32 s11, $0x3  }
0x11: {  	s7 =	sadd.s32 $0x18F000, s31;
	s10 =	sadd.s32 s11, s2;
	s11 =	sshrl.u32 @!p0 s3, $0x3  }
.LBB2_1:
0x12: {  	s22 =	simm.s32 @!p0 $0x1C05  }
0x13: {  	[spmem:s11], [sflag:s22] =	dma.local @!p0 [hbm:s1], $0x70  }
0x14: {  	s22 =	simm.s32 @!p0 $0x5  }
0x15: {  	_ =	swait.ge @!p0 [sflag:s22], $0x70  }
0x16: {  	[sflag:s22] =	ssyncset.done @!p0 $0x0  }
0x17: {  	s23 =	smov.u32 s9;
	[sflag:s22] =	ssyncadd.s32 @!p0 $0xFFFFFF90  }
0x18: {  	s24 =	simm.s32 $0x0;
	s22 =	smov.u32 s10;
	[bflag:$0x0] =	sbarrier.arrive $0xFFFF  }
.LBB2_2:
0x19: {  	p1 =	seq.s32 s24, $0x0  }
0x1a: {  	s25 =	smul.u32 @!p1 $0xFFFF999A, s24;
	_ =	sdelay $0x1  }
0x1b: {  	s26 =	sand.u32 @!p1 $0xFFF8, s25  }
0x1c: {  	s25 =	sshll.u32 @!p1 s25, $0xD;
	s26 =	sshrl.u32 @!p1 s26, $0x3  }
0x1d: {  	s25 =	sor.u32 @!p1 s25, s26  }
0x1e: {  	s25 =	sand.u32 @!p1 $0xDFFF, s25  }
0x1f: {  	p2 =	sgt.u32 @!p1 s25, $0x666  }
0x20: {  	p2 =	por p1, !p2  }
0x21: {  	s25 =	simm.s32 @!p1 $0x2;
	s26 =	smul.u32 @p2 $0xCD, s24  }
0x22: {  	_ =	swait.ge @!p1 [sflag:s25], $0x8000  }
0x23: {  	s28 =	sshrl.u32 @!p1 s23, $0x3;
	[sflag:s25] =	ssyncset.done @!p1 $0x0;
	s26 =	sshrl.u32 @p2 s26, $0xC  }
0x24: {  	s29 =	simm.s32 @!p1 $0xA800;
	[sflag:s25] =	ssyncadd.s32 @!p1 $0xFFFF8000;
	s26 =	sand.u32 @p2 $0xF, s26  }
0x25: {  	s25 =	sadd.s32 @!p1 s2, s28;
	s28 =	simm.s32 @!p1 $0x0;
	s26 =	smul.u32 @p2 $0x50, s26  }
0x26: {  	[hbm4b:s25+s28] =	stream.linear.scatter @!p1 [tilespmem:s29], [sflag:$0x4], $0x8000, $0x38;
	[tilespmem:$0x12838] =	vst v63  }
0x27: {  	s25 =	sadd.s32 @p2 s6, s26  }
0x28: {  	s29 =	sshll.u32 s24, $0x2;
	s25 =	sshll.u32 @p2 s25, $0x4  }
0x29: {  	s30 =	sand.u32 $0xFFFC, s29;
	s26 =	simm.s32 @p2 $0x0;
	s25 =	sadd.s32 @p2 s5, s25  }
0x2a: {  	[tilespmem:s26], [sflag:$0x5] =	stream.linear.gather @p2 [hbm4b:s25+s26], $0x2800, $0x38;
	[tilespmem:$0x12838] =	vst v63  }
0x2b: {  	s26 =	smul.u32 $0xCCCD, s30  }
0x2c: {  	s25 =	simm.s32 @p2 $0x5  }
0x2d: {  	_ =	swait.ge @p2 [sflag:s25], $0x2800;
	s26 =	sshrl.u32 s26, $0x16  }
0x2e: {  	p3 =	seq.s32 @p2 s24, $0x0;
	[sflag:s25] =	ssyncset.done @p2 $0x0;
	s26 =	smul.u32 $0x50, s26  }
0x2f: {  	p3 =	por !p2, !p3;
	[sflag:s25] =	ssyncadd.s32 @p2 $0xFFFFD800  }
0x30: {  	_ =	swait.ge @p3 [sflag:s19], $0x8000;
	s26 =	ssub.s32 s29, s26  }
0x31: {  	[sflag:s19] =	ssyncset.done @p3 $0x0;
	s26 =	sshll.u32 s26, $0x7  }
0x32: {  	s25 =	sor.u32 $0x2, s29;
	[sflag:s19] =	ssyncadd.s32 @p3 $0xFFFF8000;
	s26 =	sand.u32 $0x3E00, s26  }
0x33: {  	[tilespmem:s13], [sflag:$0x1] =	stream.indirect.gather [spmem:s3], $0x80, s26, s12, $0xb8;
	[tilespmem:$0x12838] =	vst v63  }
0x34: {  	s31 =	sand.u32 $0xFFFF, s25;
	s26 =	sor.u32 $0x80, s26  }
0x35: {  	[tilespmem:s14], [sflag:$0x1] =	stream.indirect.gather [spmem:s3], $0x80, s26, s12, $0xb8;
	[tilespmem:$0x12838] =	vst v63  }
0x36: {  	s26 =	smul.u32 $0xCCCD, s31;
	_ =	swait.ge [sflag:s15], $0x8000  }
0x37: {  	[sflag:s15] =	ssyncset.done $0x0  }
0x38: {  	s28 =	simm.s32 @!p1 $0x4;
	s26 =	sshrl.u32 s26, $0x16;
	[sflag:s15] =	ssyncadd.s32 $0xFFFF8000  }
0x39: {  	[hbm4b:s22+s4] =	stream.linear.scatter [tilespmem:s13], [sflag:$0x3], $0x8000, $0x38;
	[tilespmem:$0x12838] =	vst v63  }
0x3a: {  	s26 =	smul.u32 $0x50, s26;
	_ =	swait.ge @!p1 [sflag:s28], $0x8000  }
0x3b: {  	s24 =	sadd.s32 $0x1, s24;
	[sflag:s28] =	ssyncset.done @!p1 $0x0  }
0x3c: {  	s25 =	ssub.s32 s25, s26;
	[sflag:s28] =	ssyncadd.s32 @!p1 $0xFFFF8000;
	p1 =	sne.s32 s24, $0xC8  }
.Ltmp0:
0x3d: {  	s25 =	sshll.u32 s25, $0x7;
	(pc) =	sbr.rel @p1 .LBB2_2-.Ltmp0, $4  }
0x3e: {  	s25 =	sand.u32 $0x3F80, s25  }
0x3f: {  	[tilespmem:s16], [sflag:$0x2] =	stream.indirect.gather [spmem:s3], $0x80, s25, s12, $0xb8;
	[tilespmem:$0x12838] =	vst v63  }
0x40: {  	s23 =	sadd.s32 $0x10000, s23;
	s22 =	sadd.s32 $0x2000, s22;
	s25 =	sadd.s32 $0x80, s25  }
0x41: {  	[tilespmem:s17], [sflag:$0x2] =	stream.indirect.gather [spmem:s3], $0x80, s25, s12, $0xb8;
	[tilespmem:$0x12838] =	vst v63  }
0x42: {  	_ =	swait.ge [sflag:s18], $0x8000  }
0x43: {  	[sflag:s18] =	ssyncset.done $0x0  }
0x44: {  	s21 =	sadd.s32 $0x1, s21;
	[sflag:s18] =	ssyncadd.s32 $0xFFFF8000  }
0x45: {  	[hbm4b:s7+s4] =	stream.linear.scatter [tilespmem:s16], [sflag:$0x4], $0x8000, $0x38;
	[tilespmem:$0x12838] =	vst v63  }
0x46: {  	p1 =	sne.s32 s21, s8;
	_ =	swait.ge [sflag:s19], $0x8000  }
.Ltmp1:
0x47: {  	[sflag:s19] =	ssyncset.done $0x0;
	(pc) =	sbr.rel @p1 .LBB2_1-.Ltmp1, $4  }
0x48: {  	[sflag:s19] =	ssyncadd.s32 $0xFFFF8000  }
0x49: {  	_ =	swait.ge [sflag:s20], $0x8000  }
0x4a: {  	[sflag:s20] =	ssyncset.done $0x0  }
0x4b: {  	[sflag:s20] =	ssyncadd.s32 $0xFFFF8000  }
0x4c: {  	_ =	sfence.sel $0x180000  }
0x4d: {  	[bflag:$0x0] =	sbarrier.arrive $0xFFFF  }
0x4e: {  	_ =	strace $0x90000047  }
0x4f: {  	s0 =	sadd.s32 @!p0 $0x100000, s0;
	[bflag:$0x2] =	sbarrier.arrive $0xFFFF  }
0x50: {  	[sflag:s0] =	ssyncadd.tile.s32 @!p0 $0x1;
	_ =	shalt  }
.Lfunc_end2:
_tile_overlayer_lowered:
.L_overlay_start_2:
0x51: {  	(tag) =	ssettag $0x2  }
0x52: {  	s0 =	rddreg [dreg:$0x0];
	s2 =	stileid.u32  }
0x53: {  	s1 =	rddreg [dreg:$0x1];
	p0 =	sne.s32 s2, $0x0  }
0x54: {  	s3 =	rddreg [dreg:$0x2];
	[bflag:$0x3] =	sbarrier.arrive $0xFFFF;
	s2 =	simm.s32 @!p0 $0x1C05  }
0x55: {  	[timem:s3], [sflag:s2] =	dma.local @!p0 [hbm:s0], s1  }
0x56: {  	s0 =	simm.s32 @!p0 $0x5  }
0x57: {  	_ =	swait.ge @!p0 [sflag:s0], s1  }
0x58: {  	s1 =	ssub.s32 @!p0 $0x0, s1;
	[sflag:s0] =	ssyncset.done @!p0 $0x0  }
0x59: {  	[sflag:s0] =	ssyncadd.s32 @!p0 s1  }
0x5a: {  	[bflag:$0x3] =	sbarrier.arrive $0xFFFF  }
0x5b: {  	_ =	shalt  }

</sc_bundles>
